<compile_context>
chip_gen: v7x
topology: tpu7x:2x2x1
jax: 0.10.2.dev20260603
libtpu: 0.0.44.dev20260713+nightly
codegen_flags: <defaults>
</compile_context>

<pallas_src>
import jax
import jax.numpy as jnp
from jax import lax
from jax.experimental import pallas as pl
from jax.experimental.pallas import tpu as pltpu
from jax.experimental.pallas import tpu_sc as plsc

_NUM_TILES = 4
_WIDTH = 1280
_NTOK = 1025
_BATCH = 8
_ROWS = _BATCH * _NUM_TILES
_ZERO_ROW = _NUM_TILES * _NUM_TILES
_CHUNK = 344


def _sc_gather_body(ar_ref, table_ref, out_ref, arv, idxv, rows, sem):
    wid = lax.axis_index("s") * 2 + lax.axis_index("c")

    @pl.when(wid == 0)
    def _():
        pltpu.sync_copy(ar_ref, arv)
        a = arv[...]
        for chunk in range(2):
            lane = jnp.arange(16, dtype=jnp.int32)
            bsel = lane >> 2
            t = lane & 3
            zero = jnp.full((16,), 0, jnp.int32)
            h = zero
            w = zero
            for j in range(4):
                bb = chunk * 4 + j
                h = jnp.where(bsel == j, a[2 * bb], h)
                w = jnp.where(bsel == j, a[2 * bb + 1], w)
            one = jnp.full((16,), 1, jnp.int32)
            q = (jnp.where(t >= w, one, zero) + jnp.where(t >= 2 * w, one, zero)
                 + jnp.where(t >= 3 * w, one, zero))
            r = t - q * w
            idx = q * _NUM_TILES + r
            idx = jnp.where(t < h * w, idx, _ZERO_ROW)
            idxv[pl.ds(chunk * 16, 16)] = idx
        pltpu.async_copy(table_ref.at[idxv], rows, sem).wait()
        pltpu.sync_copy(rows, out_ref)


_sc_gather = pl.kernel(
    _sc_gather_body,
    out_type=jax.ShapeDtypeStruct((_ROWS, _WIDTH), jnp.float32),
    mesh=plsc.VectorSubcoreMesh(core_axis_name="c", subcore_axis_name="s"),
    scratch_types=[
        pltpu.VMEM((16,), jnp.int32),
        pltpu.VMEM((_ROWS,), jnp.int32),
        pltpu.VMEM((_ROWS, _WIDTH), jnp.float32),
        pltpu.SemaphoreType.DMA,
    ],
)


_TOKCHUNK = 205


def _add_body(x_ref, pos_ref, o_ref):
    o_ref[...] = x_ref[...] + pos_ref[...]


def kernel(x, embedding, ar):
    table = jnp.concatenate(
        [embedding.reshape(_ZERO_ROW, _WIDTH),
         jnp.zeros((1, _WIDTH), jnp.float32)],
        axis=0,
    )
    arf = ar.astype(jnp.int32).reshape(2 * _BATCH)
    pos = _sc_gather(arf, table).reshape(_BATCH, 1, _NUM_TILES, _WIDTH)

    xt = jnp.transpose(x, (0, 2, 1, 3))
    nblk = _NTOK // _TOKCHUNK
    out_t = pl.pallas_call(
        _add_body,
        grid=(_BATCH, nblk),
        in_specs=[
            pl.BlockSpec((1, _TOKCHUNK, _NUM_TILES, _WIDTH),
                         lambda b, j: (b, j, 0, 0)),
            pl.BlockSpec((1, 1, _NUM_TILES, _WIDTH),
                         lambda b, j: (b, 0, 0, 0)),
        ],
        out_specs=pl.BlockSpec((1, _TOKCHUNK, _NUM_TILES, _WIDTH),
                               lambda b, j: (b, j, 0, 0)),
        out_shape=jax.ShapeDtypeStruct(
            (_BATCH, _NTOK, _NUM_TILES, _WIDTH), jnp.float32),
        compiler_params=pltpu.CompilerParams(
            dimension_semantics=("parallel", "parallel")),
    )(xt, pos)
    return jnp.transpose(out_t, (0, 2, 1, 3))

# --- scband reference (transcript-rebuilt; emitter-appended) ---
"""Pipeline reference for scband-tile-position-embedding-34007551050190 (READ-ONLY COPY).

The authoritative reference and input builder live on the scoring server;
editing this copy changes nothing except your own understanding.
"""

import jax, jax.numpy as jnp
import numpy as np
import math

NUM_TILES = 4
WIDTH = 1280
BATCH = 8
NTOK = 1025


def get_aspect_ratio_mask(ar, num_tiles):
    # ar: int array [2] = (h_tiles, w_tiles)
    # returns one-hot mask [num_tiles, num_tiles*num_tiles] mapping row-major tile
    # index t within an (h, w) grid to flattened embedding index (t//w)*num_tiles + (t%w)
    h = ar[0]
    w = ar[1]
    t = jnp.arange(num_tiles)
    w_safe = jnp.maximum(w, 1)
    valid = (t < h * w).astype(jnp.float32)
    row = t // w_safe
    col = t % w_safe
    idx = row * num_tiles + col
    mask = jax.nn.one_hot(idx, num_tiles * num_tiles, dtype=jnp.float32) * valid[:, None]
    return mask


def setup_inputs(seed: int = 0) -> dict:
    key = jax.random.key(seed)
    k1, k2, k3 = jax.random.split(key, 3)
    x = jax.random.normal(k1, (BATCH, NUM_TILES, NTOK, WIDTH), dtype=jnp.float32)
    # aspect ratio dims in [1, 2] so that h*w <= num_tiles=4
    ar = jax.random.randint(k2, (BATCH, 2), 1, 3).astype(jnp.int64)
    embedding = jax.random.normal(k3, (NUM_TILES, NUM_TILES, 1, WIDTH), dtype=jnp.float32) / math.sqrt(WIDTH)
    return {"x": x, "embedding": embedding, "ar": ar}


def reference(x, embedding, ar):
    embed = embedding.reshape(-1, WIDTH)  # [num_tiles^2, width]
    masks = jax.vmap(lambda a: get_aspect_ratio_mask(a, NUM_TILES))(ar)  # [B, num_tiles, num_tiles^2]
    out_pos_embed = jnp.einsum('bte,ew->btw', masks, embed)  # [B, num_tiles, width]
    # gated=False -> no gate scaling
    return x + out_pos_embed[:, :, None, :]

if __name__ == "__main__":
    import jax
    _d = setup_inputs()
    print(jax.jit(kernel)(*tuple(_d.values())))

</pallas_src>

<mosaic_0001>
#map = affine_map<(d0, d1) -> (0)>
#map1 = affine_map<(d0, d1) -> (0, 0)>
module attributes {stable_mosaic.version = 14 : i64} {
  func.func @_sc_gather_body(%arg0: i32, %arg1: i32, %arg2: memref<16xi32, #tpu.memory_space<hbm>>, %arg3: memref<17x1280xf32, #tpu.memory_space<hbm>>, %arg4: memref<32x1280xf32, #tpu.memory_space<hbm>>, %arg5: memref<16xi32, #tpu.memory_space<vmem>>, %arg6: memref<32xi32, #tpu.memory_space<vmem>>, %arg7: memref<32x1280xf32, #tpu.memory_space<vmem>>, %arg8: memref<!tpu.dma_semaphore, #tpu.memory_space<semaphore_mem>>) attributes {dimension_semantics = [#tpu.dimension_semantics<core_parallel>, #tpu.dimension_semantics<subcore_parallel>], iteration_bounds = array<i64: 2, 16>, scalar_prefetch = 0 : i64, scratch_operands = 4 : i64, tpu.core_type = #tpu.core_type<sc_vector_subcore>, window_params = [{transform_indices = #map}, {transform_indices = #map1}, {transform_indices = #map1}]} {
    %mul3A = arith.constant 2 : i32
    %mul3A_0 = arith.muli %arg1, %mul3A : i32
    %add3A = arith.addi %mul3A_0, %arg0 : i32
    %eq3A = arith.constant 0 : i32
    %eq3A_1 = arith.cmpi eq, %add3A, %eq3A : i32
    %convert_element_type3A = arith.extui %eq3A_1 : i1 to i32
    %cond3A = arith.constant 0 : i32
    %cond3A_2 = arith.cmpi ne, %convert_element_type3A, %cond3A : i32
    scf.if %cond3A_2 {
      "tpu.region"() ({
        %run_scoped3A = tpu.sem_alloc : memref<!tpu.dma_semaphore, #tpu.memory_space<semaphore_mem>>
        tpu.enqueue_dma source(%arg2 : memref<16xi32, #tpu.memory_space<hbm>>) target(%arg5 : memref<16xi32, #tpu.memory_space<vmem>>) target_semaphore(%run_scoped3A : memref<!tpu.dma_semaphore, #tpu.memory_space<semaphore_mem>>)
        tpu.wait_dma2 semaphore(%run_scoped3A : memref<!tpu.dma_semaphore, #tpu.memory_space<semaphore_mem>>) src(%arg2 : memref<16xi32, #tpu.memory_space<hbm>>) dst(%arg5 : memref<16xi32, #tpu.memory_space<vmem>>)
        tpu.yield
      }) : () -> ()
      %get3A = arith.constant 0 : index
      %get3A_3 = tpu.vector_load %arg5[%get3A] {strides = array<i32>} : memref<16xi32, #tpu.memory_space<vmem>>, vector<16xi32>,
      %get3A_4 = vector.shape_cast %get3A_3 : vector<16xi32> to vector<16xi32>
      %iota3A = tpu.iota {dimensions = array<i32: 0>} : vector<16xi32>
      %shift_right_arithmetic3A = arith.constant 2 : i32
      %shift_right_arithmetic3A_5 = vector.broadcast %shift_right_arithmetic3A : i32 to vector<16xi32>
      %shift_right_arithmetic3A_6 = arith.shrsi %iota3A, %shift_right_arithmetic3A_5 : vector<16xi32>
      %and3A = arith.constant 3 : i32
      %and3A_7 = vector.broadcast %and3A : i32 to vector<16xi32>
      %and3A_8 = arith.andi %iota3A, %and3A_7 : vector<16xi32>
      %broadcast_in_dim3A = arith.constant 0 : i32
      %broadcast_in_dim3A_9 = vector.broadcast %broadcast_in_dim3A : i32 to vector<16xi32>
      %eq3A_10 = arith.constant 0 : i32
      %eq3A_11 = vector.broadcast %eq3A_10 : i32 to vector<16xi32>
      %eq3A_12 = arith.cmpi eq, %shift_right_arithmetic3A_6, %eq3A_11 : vector<16xi32>
      %slice3A = vector.extract_strided_slice %get3A_4 {offsets = [0], sizes = [1], strides = [1]} : vector<16xi32> to vector<1xi32>
      %squeeze3A = vector.extract %slice3A[0] : i32 from vector<1xi32>
      %broadcast_in_dim3A_13 = vector.broadcast %squeeze3A : i32 to vector<16xi32>
      %select_n3A = arith.select %eq3A_12, %broadcast_in_dim3A_13, %broadcast_in_dim3A_9 : vector<16xi1>, vector<16xi32>
      %eq3A_14 = arith.constant 0 : i32
      %eq3A_15 = vector.broadcast %eq3A_14 : i32 to vector<16xi32>
      %eq3A_16 = arith.cmpi eq, %shift_right_arithmetic3A_6, %eq3A_15 : vector<16xi32>
      %slice3A_17 = vector.extract_strided_slice %get3A_4 {offsets = [1], sizes = [1], strides = [1]} : vector<16xi32> to vector<1xi32>
      %squeeze3A_18 = vector.extract %slice3A_17[0] : i32 from vector<1xi32>
      %broadcast_in_dim3A_19 = vector.broadcast %squeeze3A_18 : i32 to vector<16xi32>
      %select_n3A_20 = arith.select %eq3A_16, %broadcast_in_dim3A_19, %broadcast_in_dim3A_9 : vector<16xi1>, vector<16xi32>
      %eq3A_21 = arith.constant 1 : i32
      %eq3A_22 = vector.broadcast %eq3A_21 : i32 to vector<16xi32>
      %eq3A_23 = arith.cmpi eq, %shift_right_arithmetic3A_6, %eq3A_22 : vector<16xi32>
      %slice3A_24 = vector.extract_strided_slice %get3A_4 {offsets = [2], sizes = [1], strides = [1]} : vector<16xi32> to vector<1xi32>
      %squeeze3A_25 = vector.extract %slice3A_24[0] : i32 from vector<1xi32>
      %broadcast_in_dim3A_26 = vector.broadcast %squeeze3A_25 : i32 to vector<16xi32>
      %select_n3A_27 = arith.select %eq3A_23, %broadcast_in_dim3A_26, %select_n3A : vector<16xi1>, vector<16xi32>
      %eq3A_28 = arith.constant 1 : i32
      %eq3A_29 = vector.broadcast %eq3A_28 : i32 to vector<16xi32>
      %eq3A_30 = arith.cmpi eq, %shift_right_arithmetic3A_6, %eq3A_29 : vector<16xi32>
      %slice3A_31 = vector.extract_strided_slice %get3A_4 {offsets = [3], sizes = [1], strides = [1]} : vector<16xi32> to vector<1xi32>
      %squeeze3A_32 = vector.extract %slice3A_31[0] : i32 from vector<1xi32>
      %broadcast_in_dim3A_33 = vector.broadcast %squeeze3A_32 : i32 to vector<16xi32>
      %select_n3A_34 = arith.select %eq3A_30, %broadcast_in_dim3A_33, %select_n3A_20 : vector<16xi1>, vector<16xi32>
      %eq3A_35 = arith.constant 2 : i32
      %eq3A_36 = vector.broadcast %eq3A_35 : i32 to vector<16xi32>
      %eq3A_37 = arith.cmpi eq, %shift_right_arithmetic3A_6, %eq3A_36 : vector<16xi32>
      %slice3A_38 = vector.extract_strided_slice %get3A_4 {offsets = [4], sizes = [1], strides = [1]} : vector<16xi32> to vector<1xi32>
      %squeeze3A_39 = vector.extract %slice3A_38[0] : i32 from vector<1xi32>
      %broadcast_in_dim3A_40 = vector.broadcast %squeeze3A_39 : i32 to vector<16xi32>
      %select_n3A_41 = arith.select %eq3A_37, %broadcast_in_dim3A_40, %select_n3A_27 : vector<16xi1>, vector<16xi32>
      %eq3A_42 = arith.constant 2 : i32
      %eq3A_43 = vector.broadcast %eq3A_42 : i32 to vector<16xi32>
      %eq3A_44 = arith.cmpi eq, %shift_right_arithmetic3A_6, %eq3A_43 : vector<16xi32>
      %slice3A_45 = vector.extract_strided_slice %get3A_4 {offsets = [5], sizes = [1], strides = [1]} : vector<16xi32> to vector<1xi32>
      %squeeze3A_46 = vector.extract %slice3A_45[0] : i32 from vector<1xi32>
      %broadcast_in_dim3A_47 = vector.broadcast %squeeze3A_46 : i32 to vector<16xi32>
      %select_n3A_48 = arith.select %eq3A_44, %broadcast_in_dim3A_47, %select_n3A_34 : vector<16xi1>, vector<16xi32>
      %eq3A_49 = arith.constant 3 : i32
      %eq3A_50 = vector.broadcast %eq3A_49 : i32 to vector<16xi32>
      %eq3A_51 = arith.cmpi eq, %shift_right_arithmetic3A_6, %eq3A_50 : vector<16xi32>
      %slice3A_52 = vector.extract_strided_slice %get3A_4 {offsets = [6], sizes = [1], strides = [1]} : vector<16xi32> to vector<1xi32>
      %squeeze3A_53 = vector.extract %slice3A_52[0] : i32 from vector<1xi32>
      %broadcast_in_dim3A_54 = vector.broadcast %squeeze3A_53 : i32 to vector<16xi32>
      %select_n3A_55 = arith.select %eq3A_51, %broadcast_in_dim3A_54, %select_n3A_41 : vector<16xi1>, vector<16xi32>
      %eq3A_56 = arith.constant 3 : i32
      %eq3A_57 = vector.broadcast %eq3A_56 : i32 to vector<16xi32>
      %eq3A_58 = arith.cmpi eq, %shift_right_arithmetic3A_6, %eq3A_57 : vector<16xi32>
      %slice3A_59 = vector.extract_strided_slice %get3A_4 {offsets = [7], sizes = [1], strides = [1]} : vector<16xi32> to vector<1xi32>
      %squeeze3A_60 = vector.extract %slice3A_59[0] : i32 from vector<1xi32>
      %broadcast_in_dim3A_61 = vector.broadcast %squeeze3A_60 : i32 to vector<16xi32>
      %select_n3A_62 = arith.select %eq3A_58, %broadcast_in_dim3A_61, %select_n3A_48 : vector<16xi1>, vector<16xi32>
      %broadcast_in_dim3A_63 = arith.constant 1 : i32
      %broadcast_in_dim3A_64 = vector.broadcast %broadcast_in_dim3A_63 : i32 to vector<16xi32>
      %ge3A = arith.cmpi sge, %and3A_8, %select_n3A_62 : vector<16xi32>
      %select_n3A_65 = arith.select %ge3A, %broadcast_in_dim3A_64, %broadcast_in_dim3A_9 : vector<16xi1>, vector<16xi32>
      %mul3A_66 = arith.constant 2 : i32
      %mul3A_67 = vector.broadcast %mul3A_66 : i32 to vector<16xi32>
      %mul3A_68 = arith.muli %mul3A_67, %select_n3A_62 : vector<16xi32>
      %ge3A_69 = arith.cmpi sge, %and3A_8, %mul3A_68 : vector<16xi32>
      %select_n3A_70 = arith.select %ge3A_69, %broadcast_in_dim3A_64, %broadcast_in_dim3A_9 : vector<16xi1>, vector<16xi32>
      %add3A_71 = arith.addi %select_n3A_65, %select_n3A_70 : vector<16xi32>
      %mul3A_72 = arith.constant 3 : i32
      %mul3A_73 = vector.broadcast %mul3A_72 : i32 to vector<16xi32>
      %mul3A_74 = arith.muli %mul3A_73, %select_n3A_62 : vector<16xi32>
      %ge3A_75 = arith.cmpi sge, %and3A_8, %mul3A_74 : vector<16xi32>
      %select_n3A_76 = arith.select %ge3A_75, %broadcast_in_dim3A_64, %broadcast_in_dim3A_9 : vector<16xi1>, vector<16xi32>
      %add3A_77 = arith.addi %add3A_71, %select_n3A_76 : vector<16xi32>
      %mul3A_78 = arith.muli %add3A_77, %select_n3A_62 : vector<16xi32>
      %sub3A = arith.subi %and3A_8, %mul3A_78 : vector<16xi32>
      %mul3A_79 = arith.constant 4 : i32
      %mul3A_80 = vector.broadcast %mul3A_79 : i32 to vector<16xi32>
      %mul3A_81 = arith.muli %add3A_77, %mul3A_80 : vector<16xi32>
      %add3A_82 = arith.addi %mul3A_81, %sub3A : vector<16xi32>
      %mul3A_83 = arith.muli %select_n3A_55, %select_n3A_62 : vector<16xi32>
      %lt3A = arith.cmpi slt, %and3A_8, %mul3A_83 : vector<16xi32>
      %jit3A = arith.constant 16 : i32
      %broadcast_in_dim3A_84 = vector.broadcast %jit3A : i32 to vector<16xi32>
      %select_n3A_85 = arith.select %lt3A, %add3A_82, %broadcast_in_dim3A_84 : vector<16xi1>, vector<16xi32>
      %swap3A = arith.constant 0 : index
      %swap3A_86 = tpu.vector_load %arg6[%swap3A] {strides = array<i32>} : memref<32xi32, #tpu.memory_space<vmem>>, vector<16xi32>,
      %swap3A_87 = vector.shape_cast %swap3A_86 : vector<16xi32> to vector<16xi32>
      %swap3A_88 = vector.shape_cast %select_n3A_85 : vector<16xi32> to vector<16xi32>
      tpu.vector_store %arg6[%swap3A], %swap3A_88 {strides = array<i32>} : memref<32xi32, #tpu.memory_space<vmem>>, vector<16xi32>,
      %iota3A_89 = tpu.iota {dimensions = array<i32: 0>} : vector<16xi32>
      %shift_right_arithmetic3A_90 = arith.constant 2 : i32
      %shift_right_arithmetic3A_91 = vector.broadcast %shift_right_arithmetic3A_90 : i32 to vector<16xi32>
      %shift_right_arithmetic3A_92 = arith.shrsi %iota3A_89, %shift_right_arithmetic3A_91 : vector<16xi32>
      %and3A_93 = arith.constant 3 : i32
      %and3A_94 = vector.broadcast %and3A_93 : i32 to vector<16xi32>
      %and3A_95 = arith.andi %iota3A_89, %and3A_94 : vector<16xi32>
      %broadcast_in_dim3A_96 = arith.constant 0 : i32
      %broadcast_in_dim3A_97 = vector.broadcast %broadcast_in_dim3A_96 : i32 to vector<16xi32>
      %eq3A_98 = arith.constant 0 : i32
      %eq3A_99 = vector.broadcast %eq3A_98 : i32 to vector<16xi32>
      %eq3A_100 = arith.cmpi eq, %shift_right_arithmetic3A_92, %eq3A_99 : vector<16xi32>
      %slice3A_101 = vector.extract_strided_slice %get3A_4 {offsets = [8], sizes = [1], strides = [1]} : vector<16xi32> to vector<1xi32>
      %squeeze3A_102 = vector.extract %slice3A_101[0] : i32 from vector<1xi32>
      %broadcast_in_dim3A_103 = vector.broadcast %squeeze3A_102 : i32 to vector<16xi32>
      %select_n3A_104 = arith.select %eq3A_100, %broadcast_in_dim3A_103, %broadcast_in_dim3A_97 : vector<16xi1>, vector<16xi32>
      %eq3A_105 = arith.constant 0 : i32
      %eq3A_106 = vector.broadcast %eq3A_105 : i32 to vector<16xi32>
      %eq3A_107 = arith.cmpi eq, %shift_right_arithmetic3A_92, %eq3A_106 : vector<16xi32>
      %slice3A_108 = vector.extract_strided_slice %get3A_4 {offsets = [9], sizes = [1], strides = [1]} : vector<16xi32> to vector<1xi32>
      %squeeze3A_109 = vector.extract %slice3A_108[0] : i32 from vector<1xi32>
      %broadcast_in_dim3A_110 = vector.broadcast %squeeze3A_109 : i32 to vector<16xi32>
      %select_n3A_111 = arith.select %eq3A_107, %broadcast_in_dim3A_110, %broadcast_in_dim3A_97 : vector<16xi1>, vector<16xi32>
      %eq3A_112 = arith.constant 1 : i32
      %eq3A_113 = vector.broadcast %eq3A_112 : i32 to vector<16xi32>
      %eq3A_114 = arith.cmpi eq, %shift_right_arithmetic3A_92, %eq3A_113 : vector<16xi32>
      %slice3A_115 = vector.extract_strided_slice %get3A_4 {offsets = [10], sizes = [1], strides = [1]} : vector<16xi32> to vector<1xi32>
      %squeeze3A_116 = vector.extract %slice3A_115[0] : i32 from vector<1xi32>
      %broadcast_in_dim3A_117 = vector.broadcast %squeeze3A_116 : i32 to vector<16xi32>
      %select_n3A_118 = arith.select %eq3A_114, %broadcast_in_dim3A_117, %select_n3A_104 : vector<16xi1>, vector<16xi32>
      %eq3A_119 = arith.constant 1 : i32
      %eq3A_120 = vector.broadcast %eq3A_119 : i32 to vector<16xi32>
      %eq3A_121 = arith.cmpi eq, %shift_right_arithmetic3A_92, %eq3A_120 : vector<16xi32>
      %slice3A_122 = vector.extract_strided_slice %get3A_4 {offsets = [11], sizes = [1], strides = [1]} : vector<16xi32> to vector<1xi32>
      %squeeze3A_123 = vector.extract %slice3A_122[0] : i32 from vector<1xi32>
      %broadcast_in_dim3A_124 = vector.broadcast %squeeze3A_123 : i32 to vector<16xi32>
      %select_n3A_125 = arith.select %eq3A_121, %broadcast_in_dim3A_124, %select_n3A_111 : vector<16xi1>, vector<16xi32>
      %eq3A_126 = arith.constant 2 : i32
      %eq3A_127 = vector.broadcast %eq3A_126 : i32 to vector<16xi32>
      %eq3A_128 = arith.cmpi eq, %shift_right_arithmetic3A_92, %eq3A_127 : vector<16xi32>
      %slice3A_129 = vector.extract_strided_slice %get3A_4 {offsets = [12], sizes = [1], strides = [1]} : vector<16xi32> to vector<1xi32>
      %squeeze3A_130 = vector.extract %slice3A_129[0] : i32 from vector<1xi32>
      %broadcast_in_dim3A_131 = vector.broadcast %squeeze3A_130 : i32 to vector<16xi32>
      %select_n3A_132 = arith.select %eq3A_128, %broadcast_in_dim3A_131, %select_n3A_118 : vector<16xi1>, vector<16xi32>
      %eq3A_133 = arith.constant 2 : i32
      %eq3A_134 = vector.broadcast %eq3A_133 : i32 to vector<16xi32>
      %eq3A_135 = arith.cmpi eq, %shift_right_arithmetic3A_92, %eq3A_134 : vector<16xi32>
      %slice3A_136 = vector.extract_strided_slice %get3A_4 {offsets = [13], sizes = [1], strides = [1]} : vector<16xi32> to vector<1xi32>
      %squeeze3A_137 = vector.extract %slice3A_136[0] : i32 from vector<1xi32>
      %broadcast_in_dim3A_138 = vector.broadcast %squeeze3A_137 : i32 to vector<16xi32>
      %select_n3A_139 = arith.select %eq3A_135, %broadcast_in_dim3A_138, %select_n3A_125 : vector<16xi1>, vector<16xi32>
      %eq3A_140 = arith.constant 3 : i32
      %eq3A_141 = vector.broadcast %eq3A_140 : i32 to vector<16xi32>
      %eq3A_142 = arith.cmpi eq, %shift_right_arithmetic3A_92, %eq3A_141 : vector<16xi32>
      %slice3A_143 = vector.extract_strided_slice %get3A_4 {offsets = [14], sizes = [1], strides = [1]} : vector<16xi32> to vector<1xi32>
      %squeeze3A_144 = vector.extract %slice3A_143[0] : i32 from vector<1xi32>
      %broadcast_in_dim3A_145 = vector.broadcast %squeeze3A_144 : i32 to vector<16xi32>
      %select_n3A_146 = arith.select %eq3A_142, %broadcast_in_dim3A_145, %select_n3A_132 : vector<16xi1>, vector<16xi32>
      %eq3A_147 = arith.constant 3 : i32
      %eq3A_148 = vector.broadcast %eq3A_147 : i32 to vector<16xi32>
      %eq3A_149 = arith.cmpi eq, %shift_right_arithmetic3A_92, %eq3A_148 : vector<16xi32>
      %slice3A_150 = vector.extract_strided_slice %get3A_4 {offsets = [15], sizes = [1], strides = [1]} : vector<16xi32> to vector<1xi32>
      %squeeze3A_151 = vector.extract %slice3A_150[0] : i32 from vector<1xi32>
      %broadcast_in_dim3A_152 = vector.broadcast %squeeze3A_151 : i32 to vector<16xi32>
      %select_n3A_153 = arith.select %eq3A_149, %broadcast_in_dim3A_152, %select_n3A_139 : vector<16xi1>, vector<16xi32>
      %broadcast_in_dim3A_154 = arith.constant 1 : i32
      %broadcast_in_dim3A_155 = vector.broadcast %broadcast_in_dim3A_154 : i32 to vector<16xi32>
      %ge3A_156 = arith.cmpi sge, %and3A_95, %select_n3A_153 : vector<16xi32>
      %select_n3A_157 = arith.select %ge3A_156, %broadcast_in_dim3A_155, %broadcast_in_dim3A_97 : vector<16xi1>, vector<16xi32>
      %mul3A_158 = arith.constant 2 : i32
      %mul3A_159 = vector.broadcast %mul3A_158 : i32 to vector<16xi32>
      %mul3A_160 = arith.muli %mul3A_159, %select_n3A_153 : vector<16xi32>
      %ge3A_161 = arith.cmpi sge, %and3A_95, %mul3A_160 : vector<16xi32>
      %select_n3A_162 = arith.select %ge3A_161, %broadcast_in_dim3A_155, %broadcast_in_dim3A_97 : vector<16xi1>, vector<16xi32>
      %add3A_163 = arith.addi %select_n3A_157, %select_n3A_162 : vector<16xi32>
      %mul3A_164 = arith.constant 3 : i32
      %mul3A_165 = vector.broadcast %mul3A_164 : i32 to vector<16xi32>
      %mul3A_166 = arith.muli %mul3A_165, %select_n3A_153 : vector<16xi32>
      %ge3A_167 = arith.cmpi sge, %and3A_95, %mul3A_166 : vector<16xi32>
      %select_n3A_168 = arith.select %ge3A_167, %broadcast_in_dim3A_155, %broadcast_in_dim3A_97 : vector<16xi1>, vector<16xi32>
      %add3A_169 = arith.addi %add3A_163, %select_n3A_168 : vector<16xi32>
      %mul3A_170 = arith.muli %add3A_169, %select_n3A_153 : vector<16xi32>
      %sub3A_171 = arith.subi %and3A_95, %mul3A_170 : vector<16xi32>
      %mul3A_172 = arith.constant 4 : i32
      %mul3A_173 = vector.broadcast %mul3A_172 : i32 to vector<16xi32>
      %mul3A_174 = arith.muli %add3A_169, %mul3A_173 : vector<16xi32>
      %add3A_175 = arith.addi %mul3A_174, %sub3A_171 : vector<16xi32>
      %mul3A_176 = arith.muli %select_n3A_146, %select_n3A_153 : vector<16xi32>
      %lt3A_177 = arith.cmpi slt, %and3A_95, %mul3A_176 : vector<16xi32>
      %jit3A_178 = arith.constant 16 : i32
      %broadcast_in_dim3A_179 = vector.broadcast %jit3A_178 : i32 to vector<16xi32>
      %select_n3A_180 = arith.select %lt3A_177, %add3A_175, %broadcast_in_dim3A_179 : vector<16xi1>, vector<16xi32>
      %swap3A_181 = arith.constant 16 : index
      %swap3A_182 = tpu.vector_load %arg6[%swap3A_181] {strides = array<i32>} : memref<32xi32, #tpu.memory_space<vmem>>, vector<16xi32>,
      %swap3A_183 = vector.shape_cast %swap3A_182 : vector<16xi32> to vector<16xi32>
      %swap3A_184 = vector.shape_cast %select_n3A_180 : vector<16xi32> to vector<16xi32>
      tpu.vector_store %arg6[%swap3A_181], %swap3A_184 {strides = array<i32>} : memref<32xi32, #tpu.memory_space<vmem>>, vector<16xi32>,
      %dma_start3A = arith.constant 0 : i32
      %dma_start3A_185 = arith.constant 0 : i32
      %dma_start3A_186 = tpu.memref_slice %arg3[%dma_start3A, %dma_start3A_185] : memref<17x1280xf32, #tpu.memory_space<hbm>> -> memref<17x1280xf32, #tpu.memory_space<hbm>>
      tpu.enqueue_indirect_dma source(%dma_start3A_186 : memref<17x1280xf32, #tpu.memory_space<hbm>>) target(%arg7 : memref<32x1280xf32, #tpu.memory_space<vmem>>) offsets(%arg6 : memref<32xi32, #tpu.memory_space<vmem>>) semaphore(%arg8 : memref<!tpu.dma_semaphore, #tpu.memory_space<semaphore_mem>>)
      %dma_wait3A = arith.constant 0 : i32
      %dma_wait3A_187 = arith.constant 0 : i32
      %dma_wait3A_188 = tpu.memref_slice %arg3[%dma_wait3A, %dma_wait3A_187] : memref<17x1280xf32, #tpu.memory_space<hbm>> -> memref<17x1280xf32, #tpu.memory_space<hbm>>
      tpu.wait_indirect_dma semaphore(%arg8 : memref<!tpu.dma_semaphore, #tpu.memory_space<semaphore_mem>>) src(%dma_wait3A_188 : memref<17x1280xf32, #tpu.memory_space<hbm>>) dst(%arg7 : memref<32x1280xf32, #tpu.memory_space<vmem>>)
      "tpu.region"() ({
        %run_scoped3A = tpu.sem_alloc : memref<!tpu.dma_semaphore, #tpu.memory_space<semaphore_mem>>
        tpu.enqueue_dma source(%arg7 : memref<32x1280xf32, #tpu.memory_space<vmem>>) target(%arg4 : memref<32x1280xf32, #tpu.memory_space<hbm>>) target_semaphore(%run_scoped3A : memref<!tpu.dma_semaphore, #tpu.memory_space<semaphore_mem>>)
        tpu.wait_dma2 semaphore(%run_scoped3A : memref<!tpu.dma_semaphore, #tpu.memory_space<semaphore_mem>>) src(%arg7 : memref<32x1280xf32, #tpu.memory_space<vmem>>) dst(%arg4 : memref<32x1280xf32, #tpu.memory_space<hbm>>)
        tpu.yield
      }) : () -> ()
    } else {
    }
    return
  }
}

module attributes {stable_mosaic.version = 14 : i64} {
  func.func @_add_body(%arg0: i32, %arg1: i32, %arg2: memref<1x205x4x1280xf32, #tpu.memory_space<vmem>>, %arg3: memref<1x1x4x1280xf32, #tpu.memory_space<vmem>>, %arg4: memref<1x205x4x1280xf32, #tpu.memory_space<vmem>>) attributes {dimension_semantics = [#tpu.dimension_semantics<parallel>, #tpu.dimension_semantics<parallel>], iteration_bounds = array<i64: 8, 5>, scalar_prefetch = 0 : i64, scratch_operands = 0 : i64, tpu.core_type = #tpu.core_type<tc>, window_params = [{transform_indices = @transform_0, window_bounds = array<i64: 1, 205, 4, 1280>}, {transform_indices = @transform_1, window_bounds = array<i64: 1, 1, 4, 1280>}, {transform_indices = @transform_2, window_bounds = array<i64: 1, 205, 4, 1280>}]} {
    %get3A = arith.constant 0 : index
    %get3A_0 = arith.constant 0 : index
    %get3A_1 = arith.constant 0 : index
    %get3A_2 = arith.constant 0 : index
    %get3A_3 = vector.load %arg2[%get3A, %get3A_0, %get3A_1, %get3A_2] : memref<1x205x4x1280xf32, #tpu.memory_space<vmem>>, vector<1x205x4x1280xf32>
    %get3A_4 = arith.constant 0 : index
    %get3A_5 = arith.constant 0 : index
    %get3A_6 = arith.constant 0 : index
    %get3A_7 = arith.constant 0 : index
    %get3A_8 = vector.load %arg3[%get3A_4, %get3A_5, %get3A_6, %get3A_7] : memref<1x1x4x1280xf32, #tpu.memory_space<vmem>>, vector<1x1x4x1280xf32>
    %add3A = vector.broadcast %get3A_8 : vector<1x1x4x1280xf32> to vector<1x205x4x1280xf32>
    %add3A_9 = arith.addf %get3A_3, %add3A : vector<1x205x4x1280xf32>
    %swap3A = arith.constant 0 : index
    %swap3A_10 = arith.constant 0 : index
    %swap3A_11 = arith.constant 0 : index
    %swap3A_12 = arith.constant 0 : index
    %swap3A_13 = vector.load %arg4[%swap3A, %swap3A_10, %swap3A_11, %swap3A_12] : memref<1x205x4x1280xf32, #tpu.memory_space<vmem>>, vector<1x205x4x1280xf32>
    tpu.vector_store %arg4[%swap3A, %swap3A_10, %swap3A_11, %swap3A_12], %add3A_9 {strides = array<i32>} : memref<1x205x4x1280xf32, #tpu.memory_space<vmem>>, vector<1x205x4x1280xf32>,
    return
  }
  func.func @transform_0(%arg0: i32, %arg1: i32) -> (i32, i32, i32, i32) {
    %c0_i32 = arith.constant 0 : i32
    %c0_i32_0 = arith.constant 0 : i32
    %c0_i32_1 = arith.constant 0 : i32
    return %arg0, %arg1, %c0_i32, %c0_i32_0 : i32, i32, i32, i32
  }
  func.func @transform_1(%arg0: i32, %arg1: i32) -> (i32, i32, i32, i32) {
    %c0_i32 = arith.constant 0 : i32
    %c0_i32_0 = arith.constant 0 : i32
    %c0_i32_1 = arith.constant 0 : i32
    %c0_i32_2 = arith.constant 0 : i32
    return %arg0, %c0_i32, %c0_i32_0, %c0_i32_1 : i32, i32, i32, i32
  }
  func.func @transform_2(%arg0: i32, %arg1: i32) -> (i32, i32, i32, i32) {
    %c0_i32 = arith.constant 0 : i32
    %c0_i32_0 = arith.constant 0 : i32
    %c0_i32_1 = arith.constant 0 : i32
    return %arg0, %arg1, %c0_i32, %c0_i32_0 : i32, i32, i32, i32
  }
}

</mosaic_0001>

<sc_bundles>
// kernel: kernel.4.cloned.1.call-start
scs
__scs_entry_jumppad:
0x0: {  	(pc) =	sbr.rel $0x88, $3  }
0x1: {  	(tag) =	ssettag $0x0;
	lr =	simm.s32 $0x1  }
0x2: {  	[smem:$0x3F9E] =	sst lr;
	_ =	strace $0xD0000000  }
0x3: {  	_ = 	snop  }
0x4: {  	_ = 	snop  }
0x5: {  	_ = 	snop  }
0x6: {  	_ = 	snop  }
0x7: {  	_ = 	snop  }
__scs_overlays_trampoline_lowered:
0x8: {  	[smem:$0x3FAD] =	sst s0  }
0x9: {  	[smem:$0x3FAE] =	sst s1  }
0xa: {  	[smem:$0x3FAF] =	sst s2  }
0xb: {  	[smem:$0x3FB0] =	sst s3  }
0xc: {  	[smem:$0x3FB1] =	sst s4  }
0xd: {  	[smem:$0x3FB2] =	sst s5  }
0xe: {  	[smem:$0x3FB3] =	sst s6  }
0xf: {  	[smem:$0x3FB4] =	sst s7  }
0x10: {  	[smem:$0x3FB5] =	sst s8  }
0x11: {  	[smem:$0x3FB6] =	sst s9;
	s0 =	simm.s32 @!p0 $0x0  }
0x12: {  	s1 =	sld [smem:$0x3F9C];
	s0 =	simm.s32 @p0 $0x1  }
0x13: {  	[smem:$0x3FB7] =	sst s0;
	s0 =	simm.s32 @!p1 $0x0  }
0x14: {  	s2 =	sld [smem:$0x3F9B];
	s0 =	simm.s32 @p1 $0x1  }
0x15: {  	[smem:$0x3FB8] =	sst s0;
	s0 =	simm.s32 @!p2 $0x0  }
0x16: {  	s3 =	sld [smem:$0x3FDB];
	s0 =	simm.s32 @p2 $0x1  }
0x17: {  	s4 =	simm.s32 $0x1BF5;
	[smem:$0x3FBA] =	sst s0  }
0x18: {  	s0 =	sld [smem:$0x3F9D];
	_ =	swait.ge [sflag:s4], $0x0  }
0x19: {  	s7 =	sld [smem:$0x3F9E]  }
0x1a: {  	s8 =	sadd.s32 $0xFFFFE003, lr  }
0x1b: {  	s9 =	sadd.s32 $0xFFFFFEF7, lr;
	s5 =	simm.s32 $0xFFFFFFFF;
	p2 =	slt.u32 s8, $0xFFFFF086  }
0x1c: {  	p1 =	slt.u32 s9, $0xF7A;
	s5 =	simm.s32 @!p2 $0x0  }
0x1d: {  	s5 =	simm.s32 @p1 $0x1;
	p0 =	seq.s32 s7, s2  }
0x1e: {  	s7 =	smul.u32 @!p0 $0xF7A, s2;
	p2 =	seq.s32 @!p0 s5, $0x0  }
0x1f: {  	s9 =	smul.u32 $0xF7A, s1;
	s8 =	simm.s32 @!p0 $0x1BF5;
	p2 =	por !p2, p0  }
0x20: {  	[sflag:s8] =	ssyncset.s32 @!p0 $0xFFFFF086;
	s6 =	sadd.s32 @!p0 s3, s7;
	s7 =	simm.s32 @!p0 $0x108  }
0x21: {  	s3 =	sadd.s32 s3, s9;
	s6 =	sadd.s32 @!p0 $0x88, s6;
	s7 =	simm.s32 @p2 $0x1082  }
0x22: {  	[simem:s7], [sflag:s8] =	dma.local @!p0 [hbm:s6], $0xF7A  }
0x23: {  	s9 =	sor.u32 $0xD0000000, s2;
	s6 =	simm.s32 $0x108;
	_ =	swait.ge @!p0 [sflag:s8], $0x0  }
0x24: {  	s3 =	sadd.s32 $0x88, s3;
	s6 =	simm.s32 @!p1 $0x1082;
	[sflag:s4] =	ssyncset.s32 $0xFFFFF086  }
0x25: {  	[simem:s6], [sflag:s4] =	dma.local [hbm:s3], $0xF7A  }
0x26: {  	[smem:$0x3F9E] =	sst s1;
	(tag) =	ssettag s2;
	_ =	strace s9  }
0x27: {  	s1 =	sld [smem:$0x3FAE]  }
0x28: {  	s2 =	sld [smem:$0x3FAF]  }
0x29: {  	s4 =	sld [smem:$0x3FB1]  }
0x2a: {  	p0 =	seq.s32 s5, $0x0;
	s5 =	sld [smem:$0x3FB2]  }
0x2b: {  	s6 =	sld [smem:$0x3FB3]  }
0x2c: {  	s7 =	sld [smem:$0x3FB4]  }
0x2d: {  	s3 =	simm.s32 $0x108;
	s8 =	sld [smem:$0x3FB5]  }
0x2e: {  	s3 =	simm.s32 @!p0 $0x1082;
	s9 =	sld [smem:$0x3FB6]  }
0x2f: {  	lr =	sadd.s32 s0, s3;
	s0 =	sld [smem:$0x3FAD]  }
0x30: {  	s3 =	sld [smem:$0x3FB0]  }
0x31: {  	[smem:$0x3FB9] =	sst s10  }
0x32: {  	s10 =	sld [smem:$0x3FB7];
	_ =	sdelay $0x3  }
0x33: {  	p0 =	seq.s32 s10, $0x1;
	s10 =	sld [smem:$0x3FB9];
	_ =	sdelay $0x3  }
0x34: {  	[smem:$0x3FB9] =	sst s10  }
0x35: {  	s10 =	sld [smem:$0x3FB8];
	_ =	sdelay $0x3  }
0x36: {  	p1 =	seq.s32 s10, $0x1;
	s10 =	sld [smem:$0x3FB9];
	_ =	sdelay $0x3  }
0x37: {  	[smem:$0x3FB9] =	sst s10  }
0x38: {  	s10 =	sld [smem:$0x3FBA]  }
0x39: {  	_ = 	snop;
	(pc) =	sbr.ind lr, $3  }
0x3a: {  	_ = 	snop  }
0x3b: {  	_ = 	snop  }
0x3c: {  	p2 =	seq.s32 s10, $0x1;
	s10 =	sld [smem:$0x3FB9]  }
0x3d: {  	_ =	shalt  }
0x3e: {  	_ =	shalt  }
0x3f: {  	_ =	shalt  }
0x40: {  	_ =	shalt  }
0x41: {  	_ =	shalt  }
0x42: {  	_ =	shalt  }
0x43: {  	_ =	shalt  }
0x44: {  	_ =	shalt  }
0x45: {  	_ =	shalt  }
0x46: {  	_ =	shalt  }
0x47: {  	_ =	shalt  }
0x48: {  	_ =	shalt  }
0x49: {  	_ =	shalt  }
0x4a: {  	_ =	shalt  }
0x4b: {  	_ =	shalt  }
0x4c: {  	_ =	shalt  }
0x4d: {  	_ =	shalt  }
0x4e: {  	_ =	shalt  }
0x4f: {  	_ =	shalt  }
0x50: {  	_ =	shalt  }
0x51: {  	_ =	shalt  }
0x52: {  	_ =	shalt  }
0x53: {  	_ =	shalt  }
0x54: {  	_ =	shalt  }
0x55: {  	_ =	shalt  }
0x56: {  	_ =	shalt  }
0x57: {  	_ =	shalt  }
0x58: {  	_ =	shalt  }
0x59: {  	_ =	shalt  }
0x5a: {  	_ =	shalt  }
0x5b: {  	_ =	shalt  }
0x5c: {  	_ =	shalt  }
0x5d: {  	_ =	shalt  }
0x5e: {  	_ =	shalt  }
0x5f: {  	_ =	shalt  }
0x60: {  	_ =	shalt  }
0x61: {  	_ =	shalt  }
0x62: {  	_ =	shalt  }
0x63: {  	_ =	shalt  }
0x64: {  	_ =	shalt  }
0x65: {  	_ =	shalt  }
0x66: {  	_ =	shalt  }
0x67: {  	_ =	shalt  }
0x68: {  	_ =	shalt  }
0x69: {  	_ =	shalt  }
0x6a: {  	_ =	shalt  }
0x6b: {  	_ =	shalt  }
0x6c: {  	_ =	shalt  }
0x6d: {  	_ =	shalt  }
0x6e: {  	_ =	shalt  }
0x6f: {  	_ =	shalt  }
0x70: {  	_ =	shalt  }
0x71: {  	_ =	shalt  }
0x72: {  	_ =	shalt  }
0x73: {  	_ =	shalt  }
0x74: {  	_ =	shalt  }
0x75: {  	_ =	shalt  }
0x76: {  	_ =	shalt  }
0x77: {  	_ =	shalt  }
0x78: {  	_ =	shalt  }
0x79: {  	_ =	shalt  }
0x7a: {  	_ =	shalt  }
0x7b: {  	_ =	shalt  }
0x7c: {  	_ =	shalt  }
0x7d: {  	_ =	shalt  }
0x7e: {  	_ =	shalt  }
0x7f: {  	_ =	shalt  }
0x80: {  	_ =	shalt  }
0x81: {  	_ =	shalt  }
0x82: {  	_ =	shalt  }
0x83: {  	_ =	shalt  }
0x84: {  	_ =	shalt  }
0x85: {  	_ =	shalt  }
0x86: {  	_ =	shalt  }
0x87: {  	_ =	shalt  }
.Lfunc_end0:
.L_simem_size_0:
called_computation_lowered:
.L_overlay_start_0:
0x88: {  	s2 =	sld [smem:$0x3FD9]  }
0x89: {  	s3 =	sld [smem:$0x3FFE];
	_ =	sdelay $0x1  }
0x8a: {  	s1 =	srdreg.scid  }
0x8b: {  	s0 =	sand.u32 $0x1, s1  }
0x8c: {  	s17 =	sshll.u32 s0, $0xA;
	s2 =	sadd.s32 s3, s2  }
0x8d: {  	s2 =	sadd.s32 s2, s17  }
0x8e: {  	[smem:$0x3FC5] =	sst s2  }
0x8f: {  	_ = 	snop  }
0x90: {  	s2 =	sld [smem:$0x3FD0];
	(tm) =	ssettm $0x1  }
0x91: {  	s18 =	sld [smem:$0x3FFB];
	_ =	sdelay $0x3  }
0x92: {  	_ =	strace s18  }
0x93: {  	s3 =	sld [smem:$0x3FFC];
	_ =	sdelay $0x3  }
0x94: {  	_ =	strace s3  }
0x95: {  	s3 =	sld [smem:$0x3FFD];
	_ =	sdelay $0x3  }
0x96: {  	_ =	strace s3  }
0x97: {  	_ =	strace $0x8FFFFFFF  }
0x98: {  	s19 =	sld [smem:$0x3FDB];
	_ =	sdelay $0x1  }
0x99: {  	s4 =	simm.s32 $_scs_section_size  }
0x9a: {  	s5 =	simm.s32 $_size__tile_overlayer_lowered;
	s6 =	simm.s32 $_tile_overlayer_lowered  }
0x9b: {  	s22 =	simm.s32 $0x1BFF;
	s21 =	sshll.u32 s6, $0x1;
	s3 =	sadd.s32 s4, s19  }
0x9c: {  	s7 =	simm.s32 $0x0;
	s20 =	sshll.u32 s5, $0x1;
	s5 =	sadd.s32 s21, s3  }
0x9d: {  	[timem:s7], [sflag:s22] =	dma.local [hbm:s5], s20  }
0x9e: {  	_ =	swait.ge [sflag:s22], s20  }
0x9f: {  	s4 =	ssub.s32 $0x0, s20;
	[sflag:s22] =	ssyncset.done $0x0  }
0xa0: {  	[sflag:s22] =	ssyncadd.s32 s4;
	_ =	sdelay $0x1  }
0xa1: {  	s23 =	simm.s32 $0x1B8B  }
0xa2: {  	_ =	swait.ge [sflag:s23], $0x1  }
0xa3: {  	[sflag:s23] =	ssyncset.done $0x0  }
0xa4: {  	s25 =	simm.s32 $0x1B8E;
	s24 =	sld [smem:$0x3FFE];
	[sflag:s23] =	ssyncadd.s32 $0xFFFFFFFF  }
0xa5: {  	s26 =	simm.s32 $execute0_lowered;
	[smem:$0x3FD2] =	sst s25  }
0xa6: {  	s5 =	sshll.u32 s26, $0x1;
	_ =	strace $0x80000046;
	[dreg:$0x1] =	wrdreg $0xFFFFFFFF  }
0xa7: {  	s28 =	simm.s32 $_size_execute0_lowered;
	s3 =	sadd.s32 s3, s5;
	[dreg:$0x0] =	wrdreg $0x0  }
0xa8: {  	s5 =	sshll.u32 s28, $0x1;
	[dreg:$0x2] =	wrdreg s3  }
0xa9: {  	[dreg:$0x3] =	wrdreg s5  }
0xaa: {  	[dreg:$0x4] =	wrdreg $0xC0  }
0xab: {  	_ =	task [dreg:s7], $0x5FFFF  }
0xac: {  	[dreg:$0x1] =	wrdreg $0xFFFFFFFF  }
0xad: {  	[dreg:$0x0] =	wrdreg $0x60  }
0xae: {  	[dreg:$0x2] =	wrdreg s24  }
0xaf: {  	[dreg:$0x3] =	wrdreg s2  }
0xb0: {  	[dreg:$0x4] =	wrdreg $0x9  }
0xb1: {  	_ =	task.clear_ibuf [dreg:s7], $0x5FFFF;
	_ =	strace $0x90000046  }
0xb2: {  	s29 =	simm.s32 $0x9;
	_ =	strace $0x80000048  }
0xb3: {  	_ =	swait.ge [sflag:s29], $0x1  }
0xb4: {  	[sflag:s29] =	ssyncadd.s32 $0xFFFFFFFF  }
0xb5: {  	_ =	strace $0x90000048  }
0xb6: {  	_ =	sfence  }
0xb7: {  	s30 =	sld [smem:$0x0];
	_ =	sdelay $0x2  }
0xb8: {  	s31 =	sshll.u32 s1, $0xD;
	s1 =	sshrl.u32 s1, $0x2  }
0xb9: {  	s3 =	sand.u32 $0x4000, s31;
	s1 =	sadd.s32 s1, s30  }
0xba: {  	s0 =	sor.u32 s3, s0;
	s1 =	sshll.u32 s1, $0x11  }
0xbb: {  	s0 =	sor.u32 s1, s0  }
0xbc: {  	s0 =	sadd.s32 $0x8F2B, s0  }
0xbd: {  	[sflag:s0] =	ssyncadd.remote.s32 $0x1  }
0xbe: {  	_ =	sfence.sel $0xFFFF  }
0xbf: {  	[dreg:$0x0] =	wrdreg $0xFFFFFFFF;
	(pc) =	sbr.abs _section_cstart, $3  }
0xc0: {  	[dreg:$0x1] =	wrdreg $0xFFFFFFFF  }
0xc1: {  	_ =	task.clear_ibuf [dreg:s7], $0x2FFFF;
	_ =	strace $0x9FFFFFFF  }
0xc2: {  	(tm) =	ssettm $0x7FFFFFFF  }
0xc3: {  	_ =	shalt  }
tec
execute0_lowered:
.L_overlay_start_1:
0x0: {  	(tag) =	ssettag $0x1  }
0x1: {  	s0 =	srdreg.scid  }
0x2: {  	s4 =	stileid.u32;
	s1 =	sand.u32 $0x1, s0  }
0x3: {  	s30 =	sshll.u32 s4, $0x1;
	s31 =	ssub.s32 $0x0, s1  }
0x4: {  	p0 =	sne.s32 s30, s31  }
.Ltmp0:
0x5: {  	_ = 	snop;
	(pc) =	sbr.rel @p0 .LBB2_4-.Ltmp0, $4  }
0x6: {  	s2 =	rddreg [dreg:$0x0]  }
0x7: {  	s3 =	rddreg [dreg:$0x1]  }
0x8: {  	[dreg:$0x3] =	wrdreg s3  }
0x9: {  	s5 =	rddreg [dreg:$0x2];
	_ =	strace $0x80000047  }
0xa: {  	s4 =	simm.s32 $0x0;
	s3 =	simm.s32 $0x2  }
0xb: {  	[tilespmem:s4], [sflag:$0x2] =	stream.linear.gather [hbm4b:s2+s4], $0x80, $0x38;
	[tilespmem:$0xA100] =	vst v63  }
0xc: {  	_ =	swait.ge [sflag:s3], $0x80  }
0xd: {  	[sflag:s3] =	ssyncset.done $0x0  }
0xe: {  	[sflag:s3] =	ssyncadd.s32 $0xFFFFFF80  }
0xf: {  	v5 =	vld [tilespmem:$0x0];
	_ =	sdelay $0x1  }
0x10: {  	v6 =	vlaneseq.u32  }
0x11: {  	vm0 =	vmmov $0xf;
	vm1 =	vmmov $0xff;
	vm2 =	vmmov $0xfff  }
0x12: {  	v2 =	vimm.s32 $0x0;
	v0 =	vand.u32 $0x3, v6;
	v3 =	vand.u32 $0x7, v6  }
0x13: {  	v4 =	vshrl.u32 v6, $0x3;
	v7 =	vbroadcast v5, $0x1;
	v8 =	vbroadcast v5, $0x2  }
0x14: {  	v1 =	vadd.s32 $0x1, v0;
	v9 =	vbroadcast v5, $0x0;
	v10 =	vbroadcast v5, $0x3  }
0x15: {  	v4 =	vmul.u32 $0x8, v4;
	v11 =	vbroadcast v5, $0x5;
	v12 =	vbroadcast v5, $0x7  }
0x16: {  	v13 =	vbroadcast v5, $0x9;
	v42 =	vbroadcast v5, $0x4;
	v7 =	vsel vm0, v7, v10  }
0x17: {  	v43 =	vbroadcast v5, $0xB;
	v44 =	vbroadcast v5, $0x6;
	v7 =	vsel vm1, v7, v11  }
0x18: {  	v14 =	vbroadcast v5, $0xD;
	v49 =	vbroadcast v5, $0x8;
	v7 =	vsel vm2, v7, v12  }
0x19: {  	v8 =	vsel vm0, v9, v8;
	v45 =	vshll.u32 v7, $0x1;
	v12 =	vmul.u32 $0x3, v7  }
0x1a: {  	v8 =	vsel vm1, v8, v42;
	vm3 =	vlt.s32 v7, v1;
	vm4 =	vlt.s32 v45, v1  }
0x1b: {  	v46 =	vsel vm3, $0x1, v2;
	v47 =	vsel vm4, $0x1, v2;
	vm3 =	vlt.s32 v12, v1  }
0x1c: {  	v8 =	vsel vm2, v8, v44;
	v9 =	vadd.s32 v46, v47;
	v48 =	vsel vm3, $0x1, v2  }
0x1d: {  	v8 =	vmul.u32 v7, v8;
	v7 =	vsub.s32 $0x4, v7;
	v9 =	vadd.s32 v48, v9  }
0x1e: {  	v52 =	vbroadcast v5, $0xF;
	v10 =	vsel vm0, v13, v43;
	v7 =	vmul.u32 v7, v9  }
0x1f: {  	v50 =	vbroadcast v5, $0xA;
	v51 =	vbroadcast v5, $0xC;
	v10 =	vsel vm1, v10, v14  }
0x20: {  	v53 =	vsel vm2, v10, v52;
	vm3 =	vgt.s32 v8, v0;
	v7 =	vadd.s32 v0, v7  }
0x21: {  	v5 =	vbroadcast v5, $0xE;
	v10 =	vshll.u32 v53, $0x1;
	v7 =	vnsel vm3, $0x10, v7  }
0x22: {  	v11 =	vsel vm0, v49, v50;
	vm4 =	vlt.s32 v10, v1;
	v55 =	vshrl.u32 v7, $0x3  }
0x23: {  	v54 =	vmul.u32 $0x3, v53;
	v58 =	vsel vm4, $0x1, v2;
	v56 =	vmul.u32 $0x50, v55  }
0x24: {  	v9 =	vsel vm1, v11, v51;
	vm3 =	vlt.s32 v53, v1;
	v15 =	vand.u32 $0x7, v7  }
0x25: {  	v57 =	vsel vm3, $0x1, v2;
	vm3 =	vlt.s32 v54, v1;
	v10 =	vor.u32 v15, v56  }
0x26: {  	v13 =	vadd.s32 v57, v58;
	v59 =	vsel vm3, $0x1, v2;
	v60 =	vperm.xlane v10, v3  }
0x27: {  	v61 =	vsub.s32 $0x4, v53;
	v5 =	vsel vm2, v9, v5;
	v62 =	vadd.s32 v59, v13  }
0x28: {  	v5 =	vmul.u32 v53, v5;
	v9 =	vmul.u32 v61, v62;
	v63 =	vadd.s32 v4, v60;
	_ =	sdelay $0x1  }
0x29: {  	vm3 =	vgt.s32 v5, v0;
	v9 =	vadd.s32 v0, v9  }
0x2a: {  	[tilespmem:$0x80] =	vst v7;
	v5 =	vnsel vm3, $0x10, v9  }
0x2b: {  	s5 =	sadd.s32 $0x200, s2;
	s6 =	simm.s32 $0x100;
	vm3 =	vmmov $0xffff;
	[tilespmem:$0x90] =	vst v5  }
0x2c: {  	[tilespmem:s6], [sflag:$0x1] =	stream.indirect_vreg.gather [hbm4b:s5+s4], $0x80, v63, vm3, $0xb8;
	[tilespmem:$0xA100] =	vst v63  }
0x2d: {  	s7 =	sadd.s32 $0x300, s2;
	s8 =	simm.s32 $0x900  }
0x2e: {  	v5 =	vor.u32 $0x8, v6;
	[tilespmem:s8], [sflag:$0x1] =	stream.indirect_vreg.gather [hbm4b:s7+s4], $0x80, v63, vm3, $0xb8;
	[tilespmem:$0xA100] =	vst v63  }
0x2f: {  	s9 =	sadd.s32 $0x400, s2;
	s10 =	simm.s32 $0x1100;
	v6 =	vperm.xlane v10, v5  }
0x30: {  	[tilespmem:s10], [sflag:$0x1] =	stream.indirect_vreg.gather [hbm4b:s9+s4], $0x80, v63, vm3, $0xb8;
	[tilespmem:$0xA100] =	vst v63  }
0x31: {  	s11 =	sadd.s32 $0x500, s2;
	s12 =	simm.s32 $0x1900;
	v6 =	vadd.s32 v4, v6  }
0x32: {  	[tilespmem:s12], [sflag:$0x1] =	stream.indirect_vreg.gather [hbm4b:s11+s4], $0x80, v63, vm3, $0xb8;
	[tilespmem:$0xA100] =	vst v63  }
0x33: {  	s13 =	sadd.s32 $0x600, s2;
	s14 =	simm.s32 $0x2100  }
0x34: {  	[tilespmem:s14], [sflag:$0x1] =	stream.indirect_vreg.gather [hbm4b:s13+s4], $0x80, v63, vm3, $0xb8;
	[tilespmem:$0xA100] =	vst v63  }
0x35: {  	s15 =	simm.s32 $0x2900  }
0x36: {  	[tilespmem:s15], [sflag:$0x1] =	stream.indirect_vreg.gather [hbm4b:s5+s4], $0x80, v6, vm3, $0xb8;
	[tilespmem:$0xA100] =	vst v63  }
0x37: {  	s16 =	simm.s32 $0x3100  }
0x38: {  	[tilespmem:s16], [sflag:$0x1] =	stream.indirect_vreg.gather [hbm4b:s7+s4], $0x80, v6, vm3, $0xb8;
	[tilespmem:$0xA100] =	vst v63  }
0x39: {  	s17 =	simm.s32 $0x3900  }
0x3a: {  	[tilespmem:s17], [sflag:$0x1] =	stream.indirect_vreg.gather [hbm4b:s9+s4], $0x80, v6, vm3, $0xb8;
	[tilespmem:$0xA100] =	vst v63  }
0x3b: {  	s18 =	simm.s32 $0x4100  }
0x3c: {  	[tilespmem:s18], [sflag:$0x1] =	stream.indirect_vreg.gather [hbm4b:s11+s4], $0x80, v6, vm3, $0xb8;
	[tilespmem:$0xA100] =	vst v63  }
0x3d: {  	s19 =	simm.s32 $0x4900  }
0x3e: {  	[tilespmem:s19], [sflag:$0x1] =	stream.indirect_vreg.gather [hbm4b:s13+s4], $0x80, v6, vm3, $0xb8;
	[tilespmem:$0xA100] =	vst v63  }
0x3f: {  	v6 =	vld [tilespmem:$0x90];
	_ =	sdelay $0x4  }
0x40: {  	v7 =	vshrl.u32 v6, $0x3  }
0x41: {  	v7 =	vmul.u32 $0x50, v7  }
0x42: {  	v6 =	vand.u32 $0x7, v6  }
0x43: {  	v6 =	vor.u32 v6, v7  }
0x44: {  	v7 =	vperm.xlane v6, v3;
	_ =	sdelay $0x1  }
0x45: {  	v7 =	vadd.s32 v4, v7;
	_ =	sdelay $0x3  }
0x46: {  	s20 =	simm.s32 $0x5100  }
0x47: {  	[tilespmem:s20], [sflag:$0x1] =	stream.indirect_vreg.gather [hbm4b:s5+s4], $0x80, v7, vm3, $0xb8;
	[tilespmem:$0xA100] =	vst v63  }
0x48: {  	s21 =	simm.s32 $0x5900  }
0x49: {  	[tilespmem:s21], [sflag:$0x1] =	stream.indirect_vreg.gather [hbm4b:s7+s4], $0x80, v7, vm3, $0xb8;
	[tilespmem:$0xA100] =	vst v63  }
0x4a: {  	s22 =	simm.s32 $0x6100;
	v6 =	vperm.xlane v6, v5  }
0x4b: {  	[tilespmem:s22], [sflag:$0x1] =	stream.indirect_vreg.gather [hbm4b:s9+s4], $0x80, v7, vm3, $0xb8;
	[tilespmem:$0xA100] =	vst v63  }
0x4c: {  	s23 =	simm.s32 $0x6900;
	v6 =	vadd.s32 v4, v6  }
0x4d: {  	[tilespmem:s23], [sflag:$0x1] =	stream.indirect_vreg.gather [hbm4b:s11+s4], $0x80, v7, vm3, $0xb8;
	[tilespmem:$0xA100] =	vst v63  }
0x4e: {  	s24 =	simm.s32 $0x7100;
	s0 =	ssub.s32 $0x2, s1  }
0x4f: {  	[tilespmem:s24], [sflag:$0x1] =	stream.indirect_vreg.gather [hbm4b:s13+s4], $0x80, v7, vm3, $0xb8;
	[tilespmem:$0xA100] =	vst v63  }
0x50: {  	s25 =	simm.s32 $0x7900;
	s1 =	sshrl.u32 s0, $0x1  }
0x51: {  	[tilespmem:s25], [sflag:$0x1] =	stream.indirect_vreg.gather [hbm4b:s5+s4], $0x80, v6, vm3, $0xb8;
	[tilespmem:$0xA100] =	vst v63  }
0x52: {  	s26 =	simm.s32 $0x8100;
	s0 =	ssub.s32 s0, s1  }
0x53: {  	[tilespmem:s26], [sflag:$0x1] =	stream.indirect_vreg.gather [hbm4b:s7+s4], $0x80, v6, vm3, $0xb8;
	[tilespmem:$0xA100] =	vst v63  }
0x54: {  	s28 =	simm.s32 $0x8900;
	s0 =	smax.u32 s0, $0x1  }
0x55: {  	[tilespmem:s28], [sflag:$0x1] =	stream.indirect_vreg.gather [hbm4b:s9+s4], $0x80, v6, vm3, $0xb8;
	[tilespmem:$0xA100] =	vst v63  }
0x56: {  	s29 =	simm.s32 $0x9100;
	p0 =	sne.s32 s0, $0x1  }
0x57: {  	[tilespmem:s29], [sflag:$0x1] =	stream.indirect_vreg.gather [hbm4b:s11+s4], $0x80, v6, vm3, $0xb8;
	[tilespmem:$0xA100] =	vst v63  }
.Ltmp1:
0x58: {  	s30 =	simm.s32 $0x9900;
	s31 =	simm.s32 $0x1;
	(pc) =	sbr.rel @!p0 .LBB2_3-.Ltmp1, $4  }
0x59: {  	[tilespmem:s30], [sflag:$0x1] =	stream.indirect_vreg.gather [hbm4b:s13+s4], $0x80, v6, vm3, $0xb8;
	[tilespmem:$0xA100] =	vst v63  }
0x5a: {  	_ =	swait.ge [sflag:s31], $0xA000  }
0x5b: {  	[sflag:s31] =	ssyncset.done $0x0  }
0x5c: {  	s1 =	sadd.s32 $0xFFFFFFFF, s0;
	s0 =	rddreg [dreg:$0x3];
	[sflag:s31] =	ssyncadd.s32 $0xFFFF6000  }
.LBB2_2:
0x5d: {  	[hbm4b:s0+s4] =	stream.linear.scatter [tilespmem:s6], [sflag:$0x2], $0xA000, $0x38;
	[tilespmem:$0xA100] =	vst v63  }
0x5e: {  	_ =	swait.ge [sflag:s3], $0xA000  }
0x5f: {  	[sflag:s3] =	ssyncset.done $0x0  }
0x60: {  	[sflag:s3] =	ssyncadd.s32 $0xFFFF6000  }
0x61: {  	[tilespmem:s4], [sflag:$0x2] =	stream.linear.gather [hbm4b:s2+s4], $0x80, $0x38;
	[tilespmem:$0xA100] =	vst v63  }
0x62: {  	_ =	swait.ge [sflag:s3], $0x80  }
0x63: {  	[sflag:s3] =	ssyncset.done $0x0  }
0x64: {  	[sflag:s3] =	ssyncadd.s32 $0xFFFFFF80  }
0x65: {  	v6 =	vld [tilespmem:$0x0];
	_ =	sdelay $0x4  }
0x66: {  	v7 =	vbroadcast v6, $0x1;
	v8 =	vbroadcast v6, $0xC  }
0x67: {  	v9 =	vbroadcast v6, $0x2;
	v13 =	vbroadcast v6, $0x3  }
0x68: {  	v10 =	vbroadcast v6, $0x5;
	v11 =	vbroadcast v6, $0x0  }
0x69: {  	v12 =	vbroadcast v6, $0x7;
	v14 =	vbroadcast v6, $0x9;
	v7 =	vsel vm0, v7, v13  }
0x6a: {  	v43 =	vbroadcast v6, $0x4;
	v15 =	vbroadcast v6, $0xB;
	v7 =	vsel vm1, v7, v10  }
0x6b: {  	v44 =	vbroadcast v6, $0x6;
	v16 =	vbroadcast v6, $0xD;
	v7 =	vsel vm2, v7, v12  }
0x6c: {  	v9 =	vsel vm0, v11, v9;
	v12 =	vshll.u32 v7, $0x1;
	v47 =	vmul.u32 $0x3, v7  }
0x6d: {  	v9 =	vsel vm1, v9, v43;
	vm4 =	vlt.s32 v7, v1;
	vm5 =	vlt.s32 v12, v1  }
0x6e: {  	v48 =	vsel vm4, $0x1, v2;
	v49 =	vsel vm5, $0x1, v2;
	vm4 =	vlt.s32 v47, v1  }
0x6f: {  	v9 =	vsel vm2, v9, v44;
	v12 =	vadd.s32 v48, v49;
	v13 =	vsel vm4, $0x1, v2  }
0x70: {  	v9 =	vmul.u32 v7, v9;
	v7 =	vsub.s32 $0x4, v7;
	v12 =	vadd.s32 v13, v12  }
0x71: {  	v45 =	vbroadcast v6, $0xF;
	v50 =	vbroadcast v6, $0x8;
	v7 =	vmul.u32 v7, v12  }
0x72: {  	v51 =	vbroadcast v6, $0xA;
	v6 =	vbroadcast v6, $0xE;
	v46 =	vsel vm0, v14, v15  }
0x73: {  	v11 =	vsel vm1, v46, v16;
	vm4 =	vgt.s32 v9, v0;
	v7 =	vadd.s32 v0, v7  }
0x74: {  	v52 =	vsel vm0, v50, v51;
	v10 =	vsel vm2, v11, v45;
	v7 =	vnsel vm4, $0x10, v7  }
0x75: {  	v8 =	vsel vm1, v52, v8;
	v11 =	vshll.u32 v10, $0x1;
	v55 =	vshrl.u32 v7, $0x3  }
0x76: {  	v54 =	vmul.u32 $0x3, v10;
	vm5 =	vlt.s32 v11, v1;
	v11 =	vmul.u32 $0x50, v55  }
0x77: {  	v57 =	vsel vm5, $0x1, v2;
	vm4 =	vlt.s32 v10, v1;
	v58 =	vand.u32 $0x7, v7  }
0x78: {  	v56 =	vsel vm4, $0x1, v2;
	vm4 =	vlt.s32 v54, v1;
	v11 =	vor.u32 v58, v11  }
0x79: {  	v14 =	vadd.s32 v56, v57;
	v59 =	vsel vm4, $0x1, v2;
	v61 =	vperm.xlane v11, v3  }
0x7a: {  	v6 =	vsel vm2, v8, v6;
	v53 =	vsub.s32 $0x4, v10;
	v60 =	vadd.s32 v59, v14  }
0x7b: {  	v6 =	vmul.u32 v10, v6;
	v8 =	vmul.u32 v53, v60;
	v63 =	vadd.s32 v4, v61;
	_ =	sdelay $0x1  }
0x7c: {  	vm4 =	vgt.s32 v6, v0;
	v8 =	vadd.s32 v0, v8  }
0x7d: {  	[tilespmem:$0x80] =	vst v7;
	v6 =	vnsel vm4, $0x10, v8  }
0x7e: {  	[tilespmem:$0x90] =	vst v6  }
0x7f: {  	[tilespmem:s6], [sflag:$0x1] =	stream.indirect_vreg.gather [hbm4b:s5+s4], $0x80, v63, vm3, $0xb8;
	[tilespmem:$0xA100] =	vst v63  }
0x80: {  	_ = 	snop  }
0x81: {  	[tilespmem:s8], [sflag:$0x1] =	stream.indirect_vreg.gather [hbm4b:s7+s4], $0x80, v63, vm3, $0xb8;
	[tilespmem:$0xA100] =	vst v63  }
0x82: {  	v62 =	vperm.xlane v11, v5  }
0x83: {  	[tilespmem:s10], [sflag:$0x1] =	stream.indirect_vreg.gather [hbm4b:s9+s4], $0x80, v63, vm3, $0xb8;
	[tilespmem:$0xA100] =	vst v63  }
0x84: {  	v6 =	vadd.s32 v4, v62  }
0x85: {  	[tilespmem:s12], [sflag:$0x1] =	stream.indirect_vreg.gather [hbm4b:s11+s4], $0x80, v63, vm3, $0xb8;
	[tilespmem:$0xA100] =	vst v63  }
0x86: {  	_ = 	snop  }
0x87: {  	[tilespmem:s14], [sflag:$0x1] =	stream.indirect_vreg.gather [hbm4b:s13+s4], $0x80, v63, vm3, $0xb8;
	[tilespmem:$0xA100] =	vst v63  }
0x88: {  	_ = 	snop  }
0x89: {  	[tilespmem:s15], [sflag:$0x1] =	stream.indirect_vreg.gather [hbm4b:s5+s4], $0x80, v6, vm3, $0xb8;
	[tilespmem:$0xA100] =	vst v63  }
0x8a: {  	_ = 	snop  }
0x8b: {  	[tilespmem:s16], [sflag:$0x1] =	stream.indirect_vreg.gather [hbm4b:s7+s4], $0x80, v6, vm3, $0xb8;
	[tilespmem:$0xA100] =	vst v63  }
0x8c: {  	_ = 	snop  }
0x8d: {  	[tilespmem:s17], [sflag:$0x1] =	stream.indirect_vreg.gather [hbm4b:s9+s4], $0x80, v6, vm3, $0xb8;
	[tilespmem:$0xA100] =	vst v63  }
0x8e: {  	_ = 	snop  }
0x8f: {  	[tilespmem:s18], [sflag:$0x1] =	stream.indirect_vreg.gather [hbm4b:s11+s4], $0x80, v6, vm3, $0xb8;
	[tilespmem:$0xA100] =	vst v63  }
0x90: {  	_ = 	snop  }
0x91: {  	[tilespmem:s19], [sflag:$0x1] =	stream.indirect_vreg.gather [hbm4b:s13+s4], $0x80, v6, vm3, $0xb8;
	[tilespmem:$0xA100] =	vst v63  }
0x92: {  	v6 =	vld [tilespmem:$0x90];
	_ =	sdelay $0x4  }
0x93: {  	v7 =	vshrl.u32 v6, $0x3  }
0x94: {  	v7 =	vmul.u32 $0x50, v7  }
0x95: {  	v6 =	vand.u32 $0x7, v6  }
0x96: {  	v6 =	vor.u32 v6, v7  }
0x97: {  	v7 =	vperm.xlane v6, v3;
	_ =	sdelay $0x1  }
0x98: {  	v7 =	vadd.s32 v4, v7;
	_ =	sdelay $0x4  }
0x99: {  	[tilespmem:s20], [sflag:$0x1] =	stream.indirect_vreg.gather [hbm4b:s5+s4], $0x80, v7, vm3, $0xb8;
	[tilespmem:$0xA100] =	vst v63  }
0x9a: {  	_ = 	snop  }
0x9b: {  	[tilespmem:s21], [sflag:$0x1] =	stream.indirect_vreg.gather [hbm4b:s7+s4], $0x80, v7, vm3, $0xb8;
	[tilespmem:$0xA100] =	vst v63  }
0x9c: {  	v6 =	vperm.xlane v6, v5  }
0x9d: {  	[tilespmem:s22], [sflag:$0x1] =	stream.indirect_vreg.gather [hbm4b:s9+s4], $0x80, v7, vm3, $0xb8;
	[tilespmem:$0xA100] =	vst v63  }
0x9e: {  	v6 =	vadd.s32 v4, v6  }
0x9f: {  	[tilespmem:s23], [sflag:$0x1] =	stream.indirect_vreg.gather [hbm4b:s11+s4], $0x80, v7, vm3, $0xb8;
	[tilespmem:$0xA100] =	vst v63  }
0xa0: {  	_ = 	snop  }
0xa1: {  	[tilespmem:s24], [sflag:$0x1] =	stream.indirect_vreg.gather [hbm4b:s13+s4], $0x80, v7, vm3, $0xb8;
	[tilespmem:$0xA100] =	vst v63  }
0xa2: {  	_ = 	snop  }
0xa3: {  	[tilespmem:s25], [sflag:$0x1] =	stream.indirect_vreg.gather [hbm4b:s5+s4], $0x80, v6, vm3, $0xb8;
	[tilespmem:$0xA100] =	vst v63  }
0xa4: {  	_ = 	snop  }
0xa5: {  	[tilespmem:s26], [sflag:$0x1] =	stream.indirect_vreg.gather [hbm4b:s7+s4], $0x80, v6, vm3, $0xb8;
	[tilespmem:$0xA100] =	vst v63  }
0xa6: {  	_ = 	snop  }
0xa7: {  	[tilespmem:s28], [sflag:$0x1] =	stream.indirect_vreg.gather [hbm4b:s9+s4], $0x80, v6, vm3, $0xb8;
	[tilespmem:$0xA100] =	vst v63  }
0xa8: {  	p0 =	sne.s32 s1, $0x1  }
0xa9: {  	[tilespmem:s29], [sflag:$0x1] =	stream.indirect_vreg.gather [hbm4b:s11+s4], $0x80, v6, vm3, $0xb8;
	[tilespmem:$0xA100] =	vst v63  }
.Ltmp2:
0xaa: {  	_ = 	snop;
	(pc) =	sbr.rel @p0 .LBB2_2-.Ltmp2, $4  }
0xab: {  	[tilespmem:s30], [sflag:$0x1] =	stream.indirect_vreg.gather [hbm4b:s13+s4], $0x80, v6, vm3, $0xb8;
	[tilespmem:$0xA100] =	vst v63  }
0xac: {  	_ =	swait.ge [sflag:s31], $0xA000  }
0xad: {  	[sflag:s31] =	ssyncset.done $0x0  }
0xae: {  	s1 =	sadd.s32 $0xFFFFFFFF, s1;
	s0 =	rddreg [dreg:$0x3];
	[sflag:s31] =	ssyncadd.s32 $0xFFFF6000  }
.LBB2_3:
0xaf: {  	[hbm4b:s0+s4] =	stream.linear.scatter [tilespmem:s6], [sflag:$0x2], $0xA000, $0x38;
	[tilespmem:$0xA100] =	vst v63  }
0xb0: {  	_ =	swait.ge [sflag:s3], $0xA000  }
0xb1: {  	[sflag:s3] =	ssyncset.done $0x0  }
0xb2: {  	[sflag:s3] =	ssyncadd.s32 $0xFFFF6000  }
0xb3: {  	s4 =	stileid.u32;
	s5 =	rddreg [dreg:$0x2]  }
.LBB2_4:
0xb4: {  	_ =	sfence.sel $0x180000  }
0xb5: {  	[bflag:$0x0] =	sbarrier.arrive $0xFFFF  }
0xb6: {  	p0 =	sne.s32 s4, $0x0;
	_ =	strace $0x90000047  }
0xb7: {  	s0 =	sadd.s32 @!p0 $0x100000, s5;
	[bflag:$0x2] =	sbarrier.arrive $0xFFFF  }
0xb8: {  	[sflag:s0] =	ssyncadd.tile.s32 @!p0 $0x1;
	_ =	shalt  }
.Lfunc_end2:
_tile_overlayer_lowered:
.L_overlay_start_2:
0xb9: {  	(tag) =	ssettag $0x2  }
0xba: {  	s0 =	rddreg [dreg:$0x0];
	s2 =	stileid.u32  }
0xbb: {  	s1 =	rddreg [dreg:$0x1];
	p0 =	sne.s32 s2, $0x0  }
0xbc: {  	s3 =	rddreg [dreg:$0x2];
	[bflag:$0x3] =	sbarrier.arrive $0xFFFF;
	s2 =	simm.s32 @!p0 $0x1C02  }
0xbd: {  	[timem:s3], [sflag:s2] =	dma.local @!p0 [hbm:s0], s1  }
0xbe: {  	s0 =	simm.s32 @!p0 $0x2  }
0xbf: {  	_ =	swait.ge @!p0 [sflag:s0], s1  }
0xc0: {  	s1 =	ssub.s32 @!p0 $0x0, s1;
	[sflag:s0] =	ssyncset.done @!p0 $0x0  }
0xc1: {  	[sflag:s0] =	ssyncadd.s32 @!p0 s1  }
0xc2: {  	[bflag:$0x3] =	sbarrier.arrive $0xFFFF  }
0xc3: {  	_ =	shalt  }

</sc_bundles>
